<compile_context>
chip_gen: v7x
topology: tpu7x:2x2x1
jax: 0.10.2.dev20260603
libtpu: 0.0.44.dev20260713+nightly
codegen_flags: <defaults>
</compile_context>

<pallas_src>
import math

import jax
import jax.numpy as jnp
import numpy as np
from jax.experimental import pallas as pl
from jax.experimental.pallas import tpu as pltpu

_EDGES = [float(np.float32(2.0 * math.pi) / np.float32(10.0) * np.float32(k))
          for k in range(1, 10)]
_COS = [float(np.float32(math.cos(e))) for e in _EDGES]
_SIN = [float(np.float32(math.sin(e))) for e in _EDGES]
_UPPER = [e > math.pi for e in _EDGES]

_LANES = 128
_BLOCK_ROWS = 4096


def _wedge_counts(xv, yv, acc_ref):
    y_neg = yv < 0.0
    for k in range(4):
        cross = _COS[k] * yv - _SIN[k] * xv
        pred_lo = jnp.logical_or(y_neg, cross > 0.0)
        pred_hi = jnp.logical_and(y_neg, cross < 0.0)
        acc_ref[k] += jnp.sum(jnp.where(pred_lo, 1.0, 0.0))
        acc_ref[k + 5] += jnp.sum(jnp.where(pred_hi, 1.0, 0.0))
    acc_ref[4] += jnp.sum(jnp.where(y_neg, 1.0, 0.0))


def _chi_square(nrows_total, o_ref, acc_ref):
    n_total = float(nrows_total)
    expected = float(nrows_total // 10)
    denom = expected + 1e-6
    t = [acc_ref[k] for k in range(9)]
    counts = [n_total - t[0]]
    counts += [t[j] - t[j + 1] for j in range(8)]
    counts += [t[8]]
    chi = (counts[0] - expected) ** 2 / denom
    for c in counts[1:]:
        chi = chi + (c - expected) ** 2 / denom
    o_ref[0] = chi


def kernel(x):
    n, _ = x.shape
    rows = (2 * n) // _LANES
    block_rows = min(_BLOCK_ROWS, rows)
    grid = rows // block_rows

    x0q = x[:, 0].reshape(rows, _LANES // 2)
    x1q = x[:, 1].reshape(rows, _LANES // 2)
    z = jnp.stack([x0q, x1q], axis=-1).reshape(rows, _LANES)

    def body(z_ref, o_ref, acc_ref):
        i = pl.program_id(0)

        @pl.when(i == 0)
        def _init():
            for k in range(9):
                acc_ref[k] = 0.0

        b = z_ref[...]
        half = block_rows // 2
        c0 = b[:half, :]
        c1 = b[half:, :]
        lane = jax.lax.broadcasted_iota(jnp.int32, (half, _LANES), 1)
        even = (lane % 2) == 0
        xv = jnp.where(even, c0, pltpu.roll(c1, 127, 1))
        yv = jnp.where(even, pltpu.roll(c0, 127, 1), pltpu.roll(c1, 126, 1))
        _wedge_counts(xv, yv, acc_ref)

        @pl.when(i == grid - 1)
        def _fin():
            _chi_square(n, o_ref, acc_ref)

    out = pl.pallas_call(
        body,
        grid=(grid,),
        in_specs=[pl.BlockSpec((block_rows, _LANES), lambda i: (i, 0))],
        out_specs=pl.BlockSpec(memory_space=pltpu.SMEM),
        out_shape=jax.ShapeDtypeStruct((1,), jnp.float32),
        scratch_shapes=[pltpu.SMEM((16,), jnp.float32)],
    )(z)
    return out[0]

# --- scband reference (transcript-rebuilt; emitter-appended) ---
"""Pipeline reference for scband-uniform-circle-loss-69166153335034 (READ-ONLY COPY).

The authoritative reference and input builder live on the scoring server;
editing this copy changes nothing except your own understanding.
"""

import jax, jax.numpy as jnp
import numpy as np
import math

N = 4194304
D = 16
NUM_BINS = 10

def setup_inputs(seed: int = 0) -> dict:
    key = jax.random.key(seed)
    x = jax.random.normal(key, (N, D), dtype=jnp.float32)
    return {"x": x}

def reference(x):
    num_bins = NUM_BINS
    # compute_angles: normalize, stereographic projection, atan2 mod 2pi
    x_normalized = x / jnp.linalg.norm(x, axis=1, keepdims=True)
    scale = 2.0 / (1.0 + jnp.sqrt(jnp.sum(x_normalized ** 2, axis=1, keepdims=True)))
    proj = (x_normalized * scale)[:, :2]
    angles = jnp.arctan2(proj[:, 1], proj[:, 0]) % (2.0 * math.pi)
    # bucketize against interior bin edges (torch.bucketize right=False == searchsorted side='left')
    bin_edges = jnp.linspace(0.0, 2.0 * math.pi, num_bins + 1)
    bin_indices = jnp.searchsorted(bin_edges[1:-1], angles, side='left')
    counts = jnp.bincount(bin_indices, minlength=num_bins, length=num_bins)
    # torch.full_like on an int tensor truncates N/num_bins to int
    expected_val = float(x.shape[0] // num_bins)
    counts_f = counts.astype(jnp.float32)
    chi_square = jnp.sum((counts_f - expected_val) ** 2 / (expected_val + 1e-06))
    return chi_square

if __name__ == "__main__":
    import jax
    _d = setup_inputs()
    print(jax.jit(kernel)(*tuple(_d.values())))

</pallas_src>

<mosaic_0001>
module attributes {stable_mosaic.version = 14 : i64} {
  func.func @body(%arg0: i32, %arg1: memref<4096x128xf32, #tpu.memory_space<vmem>>, %arg2: memref<1xf32, #tpu.memory_space<smem>>, %arg3: memref<16xf32, #tpu.memory_space<smem>>) attributes {dimension_semantics = [#tpu.dimension_semantics<arbitrary>], iteration_bounds = array<i64: 16>, scalar_prefetch = 0 : i64, scratch_operands = 1 : i64, tpu.core_type = #tpu.core_type<tc>, window_params = [{transform_indices = @transform_0, window_bounds = array<i64: 4096, 128>}, {transform_indices = @transform_1, window_bounds = array<i64: 1>}]} {
    %eq3A = arith.constant 0 : i32
    %eq3A_0 = arith.cmpi eq, %arg0, %eq3A : i32
    %convert_element_type3A = arith.extui %eq3A_0 : i1 to i32
    %cond3A = arith.constant 0 : i32
    %cond3A_1 = arith.cmpi ne, %convert_element_type3A, %cond3A : i32
    scf.if %cond3A_1 {
      %swap3A_226 = arith.constant 0.000000e+00 : f32
      %swap3A_227 = arith.constant 0 : index
      %swap3A_228 = memref.load %arg3[%swap3A_227] : memref<16xf32, #tpu.memory_space<smem>>
      memref.store %swap3A_226, %arg3[%swap3A_227] : memref<16xf32, #tpu.memory_space<smem>>
      %swap3A_229 = arith.constant 0.000000e+00 : f32
      %swap3A_230 = arith.constant 1 : index
      %swap3A_231 = memref.load %arg3[%swap3A_230] : memref<16xf32, #tpu.memory_space<smem>>
      memref.store %swap3A_229, %arg3[%swap3A_230] : memref<16xf32, #tpu.memory_space<smem>>
      %swap3A_232 = arith.constant 0.000000e+00 : f32
      %swap3A_233 = arith.constant 2 : index
      %swap3A_234 = memref.load %arg3[%swap3A_233] : memref<16xf32, #tpu.memory_space<smem>>
      memref.store %swap3A_232, %arg3[%swap3A_233] : memref<16xf32, #tpu.memory_space<smem>>
      %swap3A_235 = arith.constant 0.000000e+00 : f32
      %swap3A_236 = arith.constant 3 : index
      %swap3A_237 = memref.load %arg3[%swap3A_236] : memref<16xf32, #tpu.memory_space<smem>>
      memref.store %swap3A_235, %arg3[%swap3A_236] : memref<16xf32, #tpu.memory_space<smem>>
      %swap3A_238 = arith.constant 0.000000e+00 : f32
      %swap3A_239 = arith.constant 4 : index
      %swap3A_240 = memref.load %arg3[%swap3A_239] : memref<16xf32, #tpu.memory_space<smem>>
      memref.store %swap3A_238, %arg3[%swap3A_239] : memref<16xf32, #tpu.memory_space<smem>>
      %swap3A_241 = arith.constant 0.000000e+00 : f32
      %swap3A_242 = arith.constant 5 : index
      %swap3A_243 = memref.load %arg3[%swap3A_242] : memref<16xf32, #tpu.memory_space<smem>>
      memref.store %swap3A_241, %arg3[%swap3A_242] : memref<16xf32, #tpu.memory_space<smem>>
      %swap3A_244 = arith.constant 0.000000e+00 : f32
      %swap3A_245 = arith.constant 6 : index
      %swap3A_246 = memref.load %arg3[%swap3A_245] : memref<16xf32, #tpu.memory_space<smem>>
      memref.store %swap3A_244, %arg3[%swap3A_245] : memref<16xf32, #tpu.memory_space<smem>>
      %swap3A_247 = arith.constant 0.000000e+00 : f32
      %swap3A_248 = arith.constant 7 : index
      %swap3A_249 = memref.load %arg3[%swap3A_248] : memref<16xf32, #tpu.memory_space<smem>>
      memref.store %swap3A_247, %arg3[%swap3A_248] : memref<16xf32, #tpu.memory_space<smem>>
      %swap3A_250 = arith.constant 0.000000e+00 : f32
      %swap3A_251 = arith.constant 8 : index
      %swap3A_252 = memref.load %arg3[%swap3A_251] : memref<16xf32, #tpu.memory_space<smem>>
      memref.store %swap3A_250, %arg3[%swap3A_251] : memref<16xf32, #tpu.memory_space<smem>>
    } else {
    }
    %get3A = arith.constant 0 : index
    %get3A_2 = arith.constant 0 : index
    %get3A_3 = vector.load %arg1[%get3A, %get3A_2] : memref<4096x128xf32, #tpu.memory_space<vmem>>, vector<4096x128xf32>
    %slice3A = vector.extract_strided_slice %get3A_3 {offsets = [0, 0], sizes = [2048, 128], strides = [1, 1]} : vector<4096x128xf32> to vector<2048x128xf32>
    %slice3A_4 = vector.extract_strided_slice %get3A_3 {offsets = [2048, 0], sizes = [2048, 128], strides = [1, 1]} : vector<4096x128xf32> to vector<2048x128xf32>
    %iota3A = tpu.iota {dimensions = array<i32: 1>} : vector<2048x128xi32>
    %jit3A = arith.constant 2 : i32
    %eq3A_5 = arith.constant 0 : i32
    %eq3A_6 = arith.cmpi eq, %jit3A, %eq3A_5 : i32
    %jit3A_7 = arith.constant 1 : i32
    %select_n3A = arith.select %eq3A_6, %jit3A_7, %jit3A : i32
    %rem3A = vector.broadcast %select_n3A : i32 to vector<2048x128xi32>
    %rem3A_8 = arith.remsi %iota3A, %rem3A : vector<2048x128xi32>
    %ne3A = arith.constant 0 : i32
    %ne3A_9 = vector.broadcast %ne3A : i32 to vector<2048x128xi32>
    %ne3A_10 = arith.cmpi ne, %rem3A_8, %ne3A_9 : vector<2048x128xi32>
    %lt3A = arith.constant 0 : i32
    %lt3A_11 = vector.broadcast %lt3A : i32 to vector<2048x128xi32>
    %lt3A_12 = arith.cmpi slt, %rem3A_8, %lt3A_11 : vector<2048x128xi32>
    %lt3A_13 = arith.constant 0 : i32
    %lt3A_14 = arith.cmpi slt, %select_n3A, %lt3A_13 : i32
    %ne3A_15 = vector.broadcast %lt3A_14 : i1 to vector<2048x128xi1>
    %ne3A_16 = vector.broadcast %ne3A_15 : vector<2048x128xi1> to vector<2048x128xi1>
    %ne3A_17 = arith.xori %lt3A_12, %ne3A_16 : vector<2048x128xi1>
    %and3A = arith.andi %ne3A_17, %ne3A_10 : vector<2048x128xi1>
    %add3A = vector.broadcast %select_n3A : i32 to vector<2048x128xi32>
    %add3A_18 = arith.addi %rem3A_8, %add3A : vector<2048x128xi32>
    %select_n3A_19 = arith.select %and3A, %add3A_18, %rem3A_8 : vector<2048x128xi1>, vector<2048x128xi32>
    %eq3A_20 = arith.constant 0 : i32
    %eq3A_21 = vector.broadcast %eq3A_20 : i32 to vector<2048x128xi32>
    %eq3A_22 = arith.cmpi eq, %select_n3A_19, %eq3A_21 : vector<2048x128xi32>
    %roll3A = arith.constant 127 : i32
    %roll3A_23 = tpu.dynamic_rotate %slice3A_4 by %roll3A dim 1 : vector<2048x128xf32>, i32 -> vector<2048x128xf32>
    %select_n3A_24 = arith.select %eq3A_22, %slice3A, %roll3A_23 : vector<2048x128xi1>, vector<2048x128xf32>
    %roll3A_25 = arith.constant 127 : i32
    %roll3A_26 = tpu.dynamic_rotate %slice3A by %roll3A_25 dim 1 : vector<2048x128xf32>, i32 -> vector<2048x128xf32>
    %roll3A_27 = arith.constant 126 : i32
    %roll3A_28 = tpu.dynamic_rotate %slice3A_4 by %roll3A_27 dim 1 : vector<2048x128xf32>, i32 -> vector<2048x128xf32>
    %select_n3A_29 = arith.select %eq3A_22, %roll3A_26, %roll3A_28 : vector<2048x128xi1>, vector<2048x128xf32>
    %lt3A_30 = arith.constant 0.000000e+00 : f32
    %lt3A_31 = vector.broadcast %lt3A_30 : f32 to vector<2048x128xf32>
    %lt3A_32 = arith.cmpf olt, %select_n3A_29, %lt3A_31 : vector<2048x128xf32>
    %mul3A = arith.constant 8.090170e-01 : f32
    %mul3A_33 = vector.broadcast %mul3A : f32 to vector<2048x128xf32>
    %mul3A_34 = arith.mulf %mul3A_33, %select_n3A_29 : vector<2048x128xf32>
    %mul3A_35 = arith.constant 0.587785244 : f32
    %mul3A_36 = vector.broadcast %mul3A_35 : f32 to vector<2048x128xf32>
    %mul3A_37 = arith.mulf %mul3A_36, %select_n3A_24 : vector<2048x128xf32>
    %sub3A = arith.subf %mul3A_34, %mul3A_37 : vector<2048x128xf32>
    %gt3A = arith.constant 0.000000e+00 : f32
    %gt3A_38 = vector.broadcast %gt3A : f32 to vector<2048x128xf32>
    %gt3A_39 = arith.cmpf ogt, %sub3A, %gt3A_38 : vector<2048x128xf32>
    %or3A = arith.ori %lt3A_32, %gt3A_39 : vector<2048x128xi1>
    %lt3A_40 = arith.constant 0.000000e+00 : f32
    %lt3A_41 = vector.broadcast %lt3A_40 : f32 to vector<2048x128xf32>
    %lt3A_42 = arith.cmpf olt, %sub3A, %lt3A_41 : vector<2048x128xf32>
    %and3A_43 = arith.andi %lt3A_32, %lt3A_42 : vector<2048x128xi1>
    %get3A_44 = arith.constant 0 : index
    %get3A_45 = memref.load %arg3[%get3A_44] : memref<16xf32, #tpu.memory_space<smem>>
    %jit3A_46 = arith.constant 1.000000e+00 : f32
    %jit3A_47 = arith.constant 0.000000e+00 : f32
    %broadcast_in_dim3A = vector.broadcast %jit3A_46 : f32 to vector<2048x128xf32>
    %broadcast_in_dim3A_48 = vector.broadcast %jit3A_47 : f32 to vector<2048x128xf32>
    %select_n3A_49 = arith.select %or3A, %broadcast_in_dim3A, %broadcast_in_dim3A_48 : vector<2048x128xi1>, vector<2048x128xf32>
    %reduce_sum3A = vector.shape_cast %select_n3A_49 : vector<2048x128xf32> to vector<1x2048x128xf32>
    %reduce_sum3A_50 = arith.constant dense<0.000000e+00> : vector<1xf32>
    %reduce_sum3A_51 = vector.multi_reduction <add>, %reduce_sum3A, %reduce_sum3A_50 [1, 2] : vector<1x2048x128xf32> to vector<1xf32>
    %reduce_sum3A_52 = vector.shape_cast %reduce_sum3A_51 : vector<1xf32> to vector<1x1x1xf32>
    %reduce_sum3A_53 = vector.extract %reduce_sum3A_52[0, 0, 0] : f32 from vector<1x1x1xf32>
    %add3A_54 = arith.addf %get3A_45, %reduce_sum3A_53 : f32
    %swap3A = arith.constant 0 : index
    %swap3A_55 = memref.load %arg3[%swap3A] : memref<16xf32, #tpu.memory_space<smem>>
    memref.store %add3A_54, %arg3[%swap3A] : memref<16xf32, #tpu.memory_space<smem>>
    %get3A_56 = arith.constant 5 : index
    %get3A_57 = memref.load %arg3[%get3A_56] : memref<16xf32, #tpu.memory_space<smem>>
    %jit3A_58 = arith.constant 1.000000e+00 : f32
    %jit3A_59 = arith.constant 0.000000e+00 : f32
    %broadcast_in_dim3A_60 = vector.broadcast %jit3A_58 : f32 to vector<2048x128xf32>
    %broadcast_in_dim3A_61 = vector.broadcast %jit3A_59 : f32 to vector<2048x128xf32>
    %select_n3A_62 = arith.select %and3A_43, %broadcast_in_dim3A_60, %broadcast_in_dim3A_61 : vector<2048x128xi1>, vector<2048x128xf32>
    %reduce_sum3A_63 = vector.shape_cast %select_n3A_62 : vector<2048x128xf32> to vector<1x2048x128xf32>
    %reduce_sum3A_64 = arith.constant dense<0.000000e+00> : vector<1xf32>
    %reduce_sum3A_65 = vector.multi_reduction <add>, %reduce_sum3A_63, %reduce_sum3A_64 [1, 2] : vector<1x2048x128xf32> to vector<1xf32>
    %reduce_sum3A_66 = vector.shape_cast %reduce_sum3A_65 : vector<1xf32> to vector<1x1x1xf32>
    %reduce_sum3A_67 = vector.extract %reduce_sum3A_66[0, 0, 0] : f32 from vector<1x1x1xf32>
    %add3A_68 = arith.addf %get3A_57, %reduce_sum3A_67 : f32
    %swap3A_69 = arith.constant 5 : index
    %swap3A_70 = memref.load %arg3[%swap3A_69] : memref<16xf32, #tpu.memory_space<smem>>
    memref.store %add3A_68, %arg3[%swap3A_69] : memref<16xf32, #tpu.memory_space<smem>>
    %mul3A_71 = arith.constant 0.309016973 : f32
    %mul3A_72 = vector.broadcast %mul3A_71 : f32 to vector<2048x128xf32>
    %mul3A_73 = arith.mulf %mul3A_72, %select_n3A_29 : vector<2048x128xf32>
    %mul3A_74 = arith.constant 0.95105654 : f32
    %mul3A_75 = vector.broadcast %mul3A_74 : f32 to vector<2048x128xf32>
    %mul3A_76 = arith.mulf %mul3A_75, %select_n3A_24 : vector<2048x128xf32>
    %sub3A_77 = arith.subf %mul3A_73, %mul3A_76 : vector<2048x128xf32>
    %gt3A_78 = arith.constant 0.000000e+00 : f32
    %gt3A_79 = vector.broadcast %gt3A_78 : f32 to vector<2048x128xf32>
    %gt3A_80 = arith.cmpf ogt, %sub3A_77, %gt3A_79 : vector<2048x128xf32>
    %or3A_81 = arith.ori %lt3A_32, %gt3A_80 : vector<2048x128xi1>
    %lt3A_82 = arith.constant 0.000000e+00 : f32
    %lt3A_83 = vector.broadcast %lt3A_82 : f32 to vector<2048x128xf32>
    %lt3A_84 = arith.cmpf olt, %sub3A_77, %lt3A_83 : vector<2048x128xf32>
    %and3A_85 = arith.andi %lt3A_32, %lt3A_84 : vector<2048x128xi1>
    %get3A_86 = arith.constant 1 : index
    %get3A_87 = memref.load %arg3[%get3A_86] : memref<16xf32, #tpu.memory_space<smem>>
    %jit3A_88 = arith.constant 1.000000e+00 : f32
    %jit3A_89 = arith.constant 0.000000e+00 : f32
    %broadcast_in_dim3A_90 = vector.broadcast %jit3A_88 : f32 to vector<2048x128xf32>
    %broadcast_in_dim3A_91 = vector.broadcast %jit3A_89 : f32 to vector<2048x128xf32>
    %select_n3A_92 = arith.select %or3A_81, %broadcast_in_dim3A_90, %broadcast_in_dim3A_91 : vector<2048x128xi1>, vector<2048x128xf32>
    %reduce_sum3A_93 = vector.shape_cast %select_n3A_92 : vector<2048x128xf32> to vector<1x2048x128xf32>
    %reduce_sum3A_94 = arith.constant dense<0.000000e+00> : vector<1xf32>
    %reduce_sum3A_95 = vector.multi_reduction <add>, %reduce_sum3A_93, %reduce_sum3A_94 [1, 2] : vector<1x2048x128xf32> to vector<1xf32>
    %reduce_sum3A_96 = vector.shape_cast %reduce_sum3A_95 : vector<1xf32> to vector<1x1x1xf32>
    %reduce_sum3A_97 = vector.extract %reduce_sum3A_96[0, 0, 0] : f32 from vector<1x1x1xf32>
    %add3A_98 = arith.addf %get3A_87, %reduce_sum3A_97 : f32
    %swap3A_99 = arith.constant 1 : index
    %swap3A_100 = memref.load %arg3[%swap3A_99] : memref<16xf32, #tpu.memory_space<smem>>
    memref.store %add3A_98, %arg3[%swap3A_99] : memref<16xf32, #tpu.memory_space<smem>>
    %get3A_101 = arith.constant 6 : index
    %get3A_102 = memref.load %arg3[%get3A_101] : memref<16xf32, #tpu.memory_space<smem>>
    %jit3A_103 = arith.constant 1.000000e+00 : f32
    %jit3A_104 = arith.constant 0.000000e+00 : f32
    %broadcast_in_dim3A_105 = vector.broadcast %jit3A_103 : f32 to vector<2048x128xf32>
    %broadcast_in_dim3A_106 = vector.broadcast %jit3A_104 : f32 to vector<2048x128xf32>
    %select_n3A_107 = arith.select %and3A_85, %broadcast_in_dim3A_105, %broadcast_in_dim3A_106 : vector<2048x128xi1>, vector<2048x128xf32>
    %reduce_sum3A_108 = vector.shape_cast %select_n3A_107 : vector<2048x128xf32> to vector<1x2048x128xf32>
    %reduce_sum3A_109 = arith.constant dense<0.000000e+00> : vector<1xf32>
    %reduce_sum3A_110 = vector.multi_reduction <add>, %reduce_sum3A_108, %reduce_sum3A_109 [1, 2] : vector<1x2048x128xf32> to vector<1xf32>
    %reduce_sum3A_111 = vector.shape_cast %reduce_sum3A_110 : vector<1xf32> to vector<1x1x1xf32>
    %reduce_sum3A_112 = vector.extract %reduce_sum3A_111[0, 0, 0] : f32 from vector<1x1x1xf32>
    %add3A_113 = arith.addf %get3A_102, %reduce_sum3A_112 : f32
    %swap3A_114 = arith.constant 6 : index
    %swap3A_115 = memref.load %arg3[%swap3A_114] : memref<16xf32, #tpu.memory_space<smem>>
    memref.store %add3A_113, %arg3[%swap3A_114] : memref<16xf32, #tpu.memory_space<smem>>
    %mul3A_116 = arith.constant -0.309017032 : f32
    %mul3A_117 = vector.broadcast %mul3A_116 : f32 to vector<2048x128xf32>
    %mul3A_118 = arith.mulf %mul3A_117, %select_n3A_29 : vector<2048x128xf32>
    %mul3A_119 = arith.constant 0.95105648 : f32
    %mul3A_120 = vector.broadcast %mul3A_119 : f32 to vector<2048x128xf32>
    %mul3A_121 = arith.mulf %mul3A_120, %select_n3A_24 : vector<2048x128xf32>
    %sub3A_122 = arith.subf %mul3A_118, %mul3A_121 : vector<2048x128xf32>
    %gt3A_123 = arith.constant 0.000000e+00 : f32
    %gt3A_124 = vector.broadcast %gt3A_123 : f32 to vector<2048x128xf32>
    %gt3A_125 = arith.cmpf ogt, %sub3A_122, %gt3A_124 : vector<2048x128xf32>
    %or3A_126 = arith.ori %lt3A_32, %gt3A_125 : vector<2048x128xi1>
    %lt3A_127 = arith.constant 0.000000e+00 : f32
    %lt3A_128 = vector.broadcast %lt3A_127 : f32 to vector<2048x128xf32>
    %lt3A_129 = arith.cmpf olt, %sub3A_122, %lt3A_128 : vector<2048x128xf32>
    %and3A_130 = arith.andi %lt3A_32, %lt3A_129 : vector<2048x128xi1>
    %get3A_131 = arith.constant 2 : index
    %get3A_132 = memref.load %arg3[%get3A_131] : memref<16xf32, #tpu.memory_space<smem>>
    %jit3A_133 = arith.constant 1.000000e+00 : f32
    %jit3A_134 = arith.constant 0.000000e+00 : f32
    %broadcast_in_dim3A_135 = vector.broadcast %jit3A_133 : f32 to vector<2048x128xf32>
    %broadcast_in_dim3A_136 = vector.broadcast %jit3A_134 : f32 to vector<2048x128xf32>
    %select_n3A_137 = arith.select %or3A_126, %broadcast_in_dim3A_135, %broadcast_in_dim3A_136 : vector<2048x128xi1>, vector<2048x128xf32>
    %reduce_sum3A_138 = vector.shape_cast %select_n3A_137 : vector<2048x128xf32> to vector<1x2048x128xf32>
    %reduce_sum3A_139 = arith.constant dense<0.000000e+00> : vector<1xf32>
    %reduce_sum3A_140 = vector.multi_reduction <add>, %reduce_sum3A_138, %reduce_sum3A_139 [1, 2] : vector<1x2048x128xf32> to vector<1xf32>
    %reduce_sum3A_141 = vector.shape_cast %reduce_sum3A_140 : vector<1xf32> to vector<1x1x1xf32>
    %reduce_sum3A_142 = vector.extract %reduce_sum3A_141[0, 0, 0] : f32 from vector<1x1x1xf32>
    %add3A_143 = arith.addf %get3A_132, %reduce_sum3A_142 : f32
    %swap3A_144 = arith.constant 2 : index
    %swap3A_145 = memref.load %arg3[%swap3A_144] : memref<16xf32, #tpu.memory_space<smem>>
    memref.store %add3A_143, %arg3[%swap3A_144] : memref<16xf32, #tpu.memory_space<smem>>
    %get3A_146 = arith.constant 7 : index
    %get3A_147 = memref.load %arg3[%get3A_146] : memref<16xf32, #tpu.memory_space<smem>>
    %jit3A_148 = arith.constant 1.000000e+00 : f32
    %jit3A_149 = arith.constant 0.000000e+00 : f32
    %broadcast_in_dim3A_150 = vector.broadcast %jit3A_148 : f32 to vector<2048x128xf32>
    %broadcast_in_dim3A_151 = vector.broadcast %jit3A_149 : f32 to vector<2048x128xf32>
    %select_n3A_152 = arith.select %and3A_130, %broadcast_in_dim3A_150, %broadcast_in_dim3A_151 : vector<2048x128xi1>, vector<2048x128xf32>
    %reduce_sum3A_153 = vector.shape_cast %select_n3A_152 : vector<2048x128xf32> to vector<1x2048x128xf32>
    %reduce_sum3A_154 = arith.constant dense<0.000000e+00> : vector<1xf32>
    %reduce_sum3A_155 = vector.multi_reduction <add>, %reduce_sum3A_153, %reduce_sum3A_154 [1, 2] : vector<1x2048x128xf32> to vector<1xf32>
    %reduce_sum3A_156 = vector.shape_cast %reduce_sum3A_155 : vector<1xf32> to vector<1x1x1xf32>
    %reduce_sum3A_157 = vector.extract %reduce_sum3A_156[0, 0, 0] : f32 from vector<1x1x1xf32>
    %add3A_158 = arith.addf %get3A_147, %reduce_sum3A_157 : f32
    %swap3A_159 = arith.constant 7 : index
    %swap3A_160 = memref.load %arg3[%swap3A_159] : memref<16xf32, #tpu.memory_space<smem>>
    memref.store %add3A_158, %arg3[%swap3A_159] : memref<16xf32, #tpu.memory_space<smem>>
    %mul3A_161 = arith.constant -0.809017062 : f32
    %mul3A_162 = vector.broadcast %mul3A_161 : f32 to vector<2048x128xf32>
    %mul3A_163 = arith.mulf %mul3A_162, %select_n3A_29 : vector<2048x128xf32>
    %mul3A_164 = arith.constant 0.587785184 : f32
    %mul3A_165 = vector.broadcast %mul3A_164 : f32 to vector<2048x128xf32>
    %mul3A_166 = arith.mulf %mul3A_165, %select_n3A_24 : vector<2048x128xf32>
    %sub3A_167 = arith.subf %mul3A_163, %mul3A_166 : vector<2048x128xf32>
    %gt3A_168 = arith.constant 0.000000e+00 : f32
    %gt3A_169 = vector.broadcast %gt3A_168 : f32 to vector<2048x128xf32>
    %gt3A_170 = arith.cmpf ogt, %sub3A_167, %gt3A_169 : vector<2048x128xf32>
    %or3A_171 = arith.ori %lt3A_32, %gt3A_170 : vector<2048x128xi1>
    %lt3A_172 = arith.constant 0.000000e+00 : f32
    %lt3A_173 = vector.broadcast %lt3A_172 : f32 to vector<2048x128xf32>
    %lt3A_174 = arith.cmpf olt, %sub3A_167, %lt3A_173 : vector<2048x128xf32>
    %and3A_175 = arith.andi %lt3A_32, %lt3A_174 : vector<2048x128xi1>
    %get3A_176 = arith.constant 3 : index
    %get3A_177 = memref.load %arg3[%get3A_176] : memref<16xf32, #tpu.memory_space<smem>>
    %jit3A_178 = arith.constant 1.000000e+00 : f32
    %jit3A_179 = arith.constant 0.000000e+00 : f32
    %broadcast_in_dim3A_180 = vector.broadcast %jit3A_178 : f32 to vector<2048x128xf32>
    %broadcast_in_dim3A_181 = vector.broadcast %jit3A_179 : f32 to vector<2048x128xf32>
    %select_n3A_182 = arith.select %or3A_171, %broadcast_in_dim3A_180, %broadcast_in_dim3A_181 : vector<2048x128xi1>, vector<2048x128xf32>
    %reduce_sum3A_183 = vector.shape_cast %select_n3A_182 : vector<2048x128xf32> to vector<1x2048x128xf32>
    %reduce_sum3A_184 = arith.constant dense<0.000000e+00> : vector<1xf32>
    %reduce_sum3A_185 = vector.multi_reduction <add>, %reduce_sum3A_183, %reduce_sum3A_184 [1, 2] : vector<1x2048x128xf32> to vector<1xf32>
    %reduce_sum3A_186 = vector.shape_cast %reduce_sum3A_185 : vector<1xf32> to vector<1x1x1xf32>
    %reduce_sum3A_187 = vector.extract %reduce_sum3A_186[0, 0, 0] : f32 from vector<1x1x1xf32>
    %add3A_188 = arith.addf %get3A_177, %reduce_sum3A_187 : f32
    %swap3A_189 = arith.constant 3 : index
    %swap3A_190 = memref.load %arg3[%swap3A_189] : memref<16xf32, #tpu.memory_space<smem>>
    memref.store %add3A_188, %arg3[%swap3A_189] : memref<16xf32, #tpu.memory_space<smem>>
    %get3A_191 = arith.constant 8 : index
    %get3A_192 = memref.load %arg3[%get3A_191] : memref<16xf32, #tpu.memory_space<smem>>
    %jit3A_193 = arith.constant 1.000000e+00 : f32
    %jit3A_194 = arith.constant 0.000000e+00 : f32
    %broadcast_in_dim3A_195 = vector.broadcast %jit3A_193 : f32 to vector<2048x128xf32>
    %broadcast_in_dim3A_196 = vector.broadcast %jit3A_194 : f32 to vector<2048x128xf32>
    %select_n3A_197 = arith.select %and3A_175, %broadcast_in_dim3A_195, %broadcast_in_dim3A_196 : vector<2048x128xi1>, vector<2048x128xf32>
    %reduce_sum3A_198 = vector.shape_cast %select_n3A_197 : vector<2048x128xf32> to vector<1x2048x128xf32>
    %reduce_sum3A_199 = arith.constant dense<0.000000e+00> : vector<1xf32>
    %reduce_sum3A_200 = vector.multi_reduction <add>, %reduce_sum3A_198, %reduce_sum3A_199 [1, 2] : vector<1x2048x128xf32> to vector<1xf32>
    %reduce_sum3A_201 = vector.shape_cast %reduce_sum3A_200 : vector<1xf32> to vector<1x1x1xf32>
    %reduce_sum3A_202 = vector.extract %reduce_sum3A_201[0, 0, 0] : f32 from vector<1x1x1xf32>
    %add3A_203 = arith.addf %get3A_192, %reduce_sum3A_202 : f32
    %swap3A_204 = arith.constant 8 : index
    %swap3A_205 = memref.load %arg3[%swap3A_204] : memref<16xf32, #tpu.memory_space<smem>>
    memref.store %add3A_203, %arg3[%swap3A_204] : memref<16xf32, #tpu.memory_space<smem>>
    %get3A_206 = arith.constant 4 : index
    %get3A_207 = memref.load %arg3[%get3A_206] : memref<16xf32, #tpu.memory_space<smem>>
    %jit3A_208 = arith.constant 1.000000e+00 : f32
    %jit3A_209 = arith.constant 0.000000e+00 : f32
    %broadcast_in_dim3A_210 = vector.broadcast %jit3A_208 : f32 to vector<2048x128xf32>
    %broadcast_in_dim3A_211 = vector.broadcast %jit3A_209 : f32 to vector<2048x128xf32>
    %select_n3A_212 = arith.select %lt3A_32, %broadcast_in_dim3A_210, %broadcast_in_dim3A_211 : vector<2048x128xi1>, vector<2048x128xf32>
    %reduce_sum3A_213 = vector.shape_cast %select_n3A_212 : vector<2048x128xf32> to vector<1x2048x128xf32>
    %reduce_sum3A_214 = arith.constant dense<0.000000e+00> : vector<1xf32>
    %reduce_sum3A_215 = vector.multi_reduction <add>, %reduce_sum3A_213, %reduce_sum3A_214 [1, 2] : vector<1x2048x128xf32> to vector<1xf32>
    %reduce_sum3A_216 = vector.shape_cast %reduce_sum3A_215 : vector<1xf32> to vector<1x1x1xf32>
    %reduce_sum3A_217 = vector.extract %reduce_sum3A_216[0, 0, 0] : f32 from vector<1x1x1xf32>
    %add3A_218 = arith.addf %get3A_207, %reduce_sum3A_217 : f32
    %swap3A_219 = arith.constant 4 : index
    %swap3A_220 = memref.load %arg3[%swap3A_219] : memref<16xf32, #tpu.memory_space<smem>>
    memref.store %add3A_218, %arg3[%swap3A_219] : memref<16xf32, #tpu.memory_space<smem>>
    %eq3A_221 = arith.constant 15 : i32
    %eq3A_222 = arith.cmpi eq, %arg0, %eq3A_221 : i32
    %convert_element_type3A_223 = arith.extui %eq3A_222 : i1 to i32
    %cond3A_224 = arith.constant 0 : i32
    %cond3A_225 = arith.cmpi ne, %convert_element_type3A_223, %cond3A_224 : i32
    scf.if %cond3A_225 {
      %get3A_226 = arith.constant 0 : index
      %get3A_227 = memref.load %arg3[%get3A_226] : memref<16xf32, #tpu.memory_space<smem>>
      %get3A_228 = arith.constant 1 : index
      %get3A_229 = memref.load %arg3[%get3A_228] : memref<16xf32, #tpu.memory_space<smem>>
      %get3A_230 = arith.constant 2 : index
      %get3A_231 = memref.load %arg3[%get3A_230] : memref<16xf32, #tpu.memory_space<smem>>
      %get3A_232 = arith.constant 3 : index
      %get3A_233 = memref.load %arg3[%get3A_232] : memref<16xf32, #tpu.memory_space<smem>>
      %get3A_234 = arith.constant 4 : index
      %get3A_235 = memref.load %arg3[%get3A_234] : memref<16xf32, #tpu.memory_space<smem>>
      %get3A_236 = arith.constant 5 : index
      %get3A_237 = memref.load %arg3[%get3A_236] : memref<16xf32, #tpu.memory_space<smem>>
      %get3A_238 = arith.constant 6 : index
      %get3A_239 = memref.load %arg3[%get3A_238] : memref<16xf32, #tpu.memory_space<smem>>
      %get3A_240 = arith.constant 7 : index
      %get3A_241 = memref.load %arg3[%get3A_240] : memref<16xf32, #tpu.memory_space<smem>>
      %get3A_242 = arith.constant 8 : index
      %get3A_243 = memref.load %arg3[%get3A_242] : memref<16xf32, #tpu.memory_space<smem>>
      %sub3A_244 = arith.constant 0x4A800000 : f32
      %sub3A_245 = arith.subf %sub3A_244, %get3A_227 : f32
      %sub3A_246 = arith.subf %get3A_227, %get3A_229 : f32
      %sub3A_247 = arith.subf %get3A_229, %get3A_231 : f32
      %sub3A_248 = arith.subf %get3A_231, %get3A_233 : f32
      %sub3A_249 = arith.subf %get3A_233, %get3A_235 : f32
      %sub3A_250 = arith.subf %get3A_235, %get3A_237 : f32
      %sub3A_251 = arith.subf %get3A_237, %get3A_239 : f32
      %sub3A_252 = arith.subf %get3A_239, %get3A_241 : f32
      %sub3A_253 = arith.subf %get3A_241, %get3A_243 : f32
      %sub3A_254 = arith.constant 4.194300e+05 : f32
      %sub3A_255 = arith.subf %sub3A_245, %sub3A_254 : f32
      %integer_pow3A = arith.mulf %sub3A_255, %sub3A_255 : f32
      %div3A = arith.constant 4.194300e+05 : f32
      %div3A_256 = arith.divf %integer_pow3A, %div3A : f32
      %sub3A_257 = arith.constant 4.194300e+05 : f32
      %sub3A_258 = arith.subf %sub3A_246, %sub3A_257 : f32
      %integer_pow3A_259 = arith.mulf %sub3A_258, %sub3A_258 : f32
      %div3A_260 = arith.constant 4.194300e+05 : f32
      %div3A_261 = arith.divf %integer_pow3A_259, %div3A_260 : f32
      %add3A_262 = arith.addf %div3A_256, %div3A_261 : f32
      %sub3A_263 = arith.constant 4.194300e+05 : f32
      %sub3A_264 = arith.subf %sub3A_247, %sub3A_263 : f32
      %integer_pow3A_265 = arith.mulf %sub3A_264, %sub3A_264 : f32
      %div3A_266 = arith.constant 4.194300e+05 : f32
      %div3A_267 = arith.divf %integer_pow3A_265, %div3A_266 : f32
      %add3A_268 = arith.addf %add3A_262, %div3A_267 : f32
      %sub3A_269 = arith.constant 4.194300e+05 : f32
      %sub3A_270 = arith.subf %sub3A_248, %sub3A_269 : f32
      %integer_pow3A_271 = arith.mulf %sub3A_270, %sub3A_270 : f32
      %div3A_272 = arith.constant 4.194300e+05 : f32
      %div3A_273 = arith.divf %integer_pow3A_271, %div3A_272 : f32
      %add3A_274 = arith.addf %add3A_268, %div3A_273 : f32
      %sub3A_275 = arith.constant 4.194300e+05 : f32
      %sub3A_276 = arith.subf %sub3A_249, %sub3A_275 : f32
      %integer_pow3A_277 = arith.mulf %sub3A_276, %sub3A_276 : f32
      %div3A_278 = arith.constant 4.194300e+05 : f32
      %div3A_279 = arith.divf %integer_pow3A_277, %div3A_278 : f32
      %add3A_280 = arith.addf %add3A_274, %div3A_279 : f32
      %sub3A_281 = arith.constant 4.194300e+05 : f32
      %sub3A_282 = arith.subf %sub3A_250, %sub3A_281 : f32
      %integer_pow3A_283 = arith.mulf %sub3A_282, %sub3A_282 : f32
      %div3A_284 = arith.constant 4.194300e+05 : f32
      %div3A_285 = arith.divf %integer_pow3A_283, %div3A_284 : f32
      %add3A_286 = arith.addf %add3A_280, %div3A_285 : f32
      %sub3A_287 = arith.constant 4.194300e+05 : f32
      %sub3A_288 = arith.subf %sub3A_251, %sub3A_287 : f32
      %integer_pow3A_289 = arith.mulf %sub3A_288, %sub3A_288 : f32
      %div3A_290 = arith.constant 4.194300e+05 : f32
      %div3A_291 = arith.divf %integer_pow3A_289, %div3A_290 : f32
      %add3A_292 = arith.addf %add3A_286, %div3A_291 : f32
      %sub3A_293 = arith.constant 4.194300e+05 : f32
      %sub3A_294 = arith.subf %sub3A_252, %sub3A_293 : f32
      %integer_pow3A_295 = arith.mulf %sub3A_294, %sub3A_294 : f32
      %div3A_296 = arith.constant 4.194300e+05 : f32
      %div3A_297 = arith.divf %integer_pow3A_295, %div3A_296 : f32
      %add3A_298 = arith.addf %add3A_292, %div3A_297 : f32
      %sub3A_299 = arith.constant 4.194300e+05 : f32
      %sub3A_300 = arith.subf %sub3A_253, %sub3A_299 : f32
      %integer_pow3A_301 = arith.mulf %sub3A_300, %sub3A_300 : f32
      %div3A_302 = arith.constant 4.194300e+05 : f32
      %div3A_303 = arith.divf %integer_pow3A_301, %div3A_302 : f32
      %add3A_304 = arith.addf %add3A_298, %div3A_303 : f32
      %sub3A_305 = arith.constant 4.194300e+05 : f32
      %sub3A_306 = arith.subf %get3A_243, %sub3A_305 : f32
      %integer_pow3A_307 = arith.mulf %sub3A_306, %sub3A_306 : f32
      %div3A_308 = arith.constant 4.194300e+05 : f32
      %div3A_309 = arith.divf %integer_pow3A_307, %div3A_308 : f32
      %add3A_310 = arith.addf %add3A_304, %div3A_309 : f32
      %swap3A_311 = arith.constant 0 : index
      %swap3A_312 = memref.load %arg2[%swap3A_311] : memref<1xf32, #tpu.memory_space<smem>>
      memref.store %add3A_310, %arg2[%swap3A_311] : memref<1xf32, #tpu.memory_space<smem>>
    } else {
    }
    return
  }
  func.func @transform_0(%arg0: i32) -> (i32, i32) {
    %c0_i32 = arith.constant 0 : i32
    %c0_i32_0 = arith.constant 0 : i32
    return %arg0, %c0_i32 : i32, i32
  }
  func.func @transform_1(%arg0: i32) -> i32 {
    %c0_i32 = arith.constant 0 : i32
    %c0_i32_0 = arith.constant 0 : i32
    return %c0_i32 : i32
  }
}

</mosaic_0001>

<sc_bundles>
// kernel: sparse-core-data-format-call.cloned.1.call-start
scs
called_computation_lowered:
.L_overlay_start_0:
0x0: {  	s1 =	sld [smem:$0x3FD9]  }
0x1: {  	s2 =	sld [smem:$0x3FFE];
	_ =	sdelay $0x1  }
0x2: {  	s3 =	srdreg.scid  }
0x3: {  	s0 =	sand.u32 $0x1, s3  }
0x4: {  	s17 =	sshll.u32 s0, $0xA;
	s1 =	sadd.s32 s2, s1  }
0x5: {  	s1 =	sadd.s32 s1, s17  }
0x6: {  	[smem:$0x3FC7] =	sst s1  }
0x7: {  	_ = 	snop  }
0x8: {  	(tm) =	ssettm $0x1  }
0x9: {  	s18 =	sld [smem:$0x3FFB];
	_ =	sdelay $0x3  }
0xa: {  	_ =	strace s18  }
0xb: {  	s1 =	sld [smem:$0x3FFC];
	_ =	sdelay $0x3  }
0xc: {  	_ =	strace s1  }
0xd: {  	s1 =	sld [smem:$0x3FFD];
	_ =	sdelay $0x3  }
0xe: {  	_ =	strace s1  }
0xf: {  	_ =	strace $0x8FFFFFFF  }
0x10: {  	s19 =	sld [smem:$0x3FDB];
	_ =	sdelay $0x1  }
0x11: {  	s20 =	simm.s32 $_scs_section_size  }
0x12: {  	s4 =	simm.s32 $_size__tile_overlayer_lowered;
	s5 =	simm.s32 $_tile_overlayer_lowered  }
0x13: {  	s23 =	simm.s32 $0x1BFF;
	s22 =	sshll.u32 s5, $0x1;
	s1 =	sadd.s32 s20, s19  }
0x14: {  	s6 =	simm.s32 $0x0;
	s21 =	sshll.u32 s4, $0x1;
	s4 =	sadd.s32 s22, s1  }
0x15: {  	[timem:s6], [sflag:s23] =	dma.local [hbm:s4], s21  }
0x16: {  	_ =	swait.ge [sflag:s23], s21  }
0x17: {  	s2 =	ssub.s32 $0x0, s21;
	[sflag:s23] =	ssyncset.done $0x0  }
0x18: {  	[sflag:s23] =	ssyncadd.s32 s2;
	_ =	sdelay $0x1  }
0x19: {  	s24 =	simm.s32 $0x1B8B  }
0x1a: {  	_ =	swait.ge [sflag:s24], $0x1  }
0x1b: {  	[sflag:s24] =	ssyncset.done $0x0  }
0x1c: {  	s26 =	simm.s32 $0x1B8E;
	s25 =	sld [smem:$0x3FFE];
	[sflag:s24] =	ssyncadd.s32 $0xFFFFFFFF  }
0x1d: {  	s27 =	simm.s32 $execute0_lowered;
	[smem:$0x3FD2] =	sst s26  }
0x1e: {  	s4 =	sshll.u32 s27, $0x1;
	_ =	strace $0x80000046;
	[dreg:$0x1] =	wrdreg $0xFFFFFFFF  }
0x1f: {  	s28 =	simm.s32 $_size_execute0_lowered;
	s1 =	sadd.s32 s1, s4;
	[dreg:$0x0] =	wrdreg $0x0  }
0x20: {  	s4 =	sshll.u32 s28, $0x1;
	[dreg:$0x2] =	wrdreg s1  }
0x21: {  	[dreg:$0x3] =	wrdreg s4  }
0x22: {  	[dreg:$0x4] =	wrdreg $0xC0  }
0x23: {  	_ =	task [dreg:s6], $0x5FFFF  }
0x24: {  	[dreg:$0x1] =	wrdreg $0xFFFFFFFF  }
0x25: {  	[dreg:$0x0] =	wrdreg $0x60  }
0x26: {  	[dreg:$0x2] =	wrdreg s25  }
0x27: {  	[dreg:$0x3] =	wrdreg $0x9  }
0x28: {  	_ =	task.clear_ibuf [dreg:s6], $0x4FFFF;
	_ =	strace $0x90000046  }
0x29: {  	s29 =	simm.s32 $0x9;
	_ =	strace $0x80000048  }
0x2a: {  	_ =	swait.ge [sflag:s29], $0x1  }
0x2b: {  	[sflag:s29] =	ssyncadd.s32 $0xFFFFFFFF  }
0x2c: {  	_ =	strace $0x90000048  }
0x2d: {  	_ =	sfence  }
0x2e: {  	s30 =	sld [smem:$0x0];
	_ =	sdelay $0x2  }
0x2f: {  	s31 =	sshll.u32 s3, $0xD;
	s3 =	sshrl.u32 s3, $0x2  }
0x30: {  	s2 =	sand.u32 $0x4000, s31;
	s1 =	sadd.s32 s3, s30  }
0x31: {  	s0 =	sor.u32 s2, s0;
	s1 =	sshll.u32 s1, $0x11  }
0x32: {  	s0 =	sor.u32 s1, s0  }
0x33: {  	s0 =	sadd.s32 $0x8F2B, s0  }
0x34: {  	[sflag:s0] =	ssyncadd.remote.s32 $0x1  }
0x35: {  	_ =	sfence.sel $0xFFFF  }
0x36: {  	[dreg:$0x0] =	wrdreg $0xFFFFFFFF;
	(pc) =	sbr.abs _section_cstart, $3  }
0x37: {  	[dreg:$0x1] =	wrdreg $0xFFFFFFFF  }
0x38: {  	_ =	task.clear_ibuf [dreg:s6], $0x2FFFF;
	_ =	strace $0x9FFFFFFF  }
0x39: {  	(tm) =	ssettm $0x7FFFFFFF  }
tec
execute0_lowered:
.L_overlay_start_1:
0x0: {  	(tag) =	ssettag $0x1  }
0x1: {  	s0 =	srdreg.scid  }
0x2: {  	s2 =	rddreg [dreg:$0x0];
	s7 =	simm.s32 $0x1;
	s1 =	sshll.u32 s0, $0x4  }
0x3: {  	s8 =	simm.s32 $0x2;
	s0 =	stileid.u32;
	s1 =	sand.u32 $0x10, s1  }
0x4: {  	s13 =	simm.s32 $0x0;
	s9 =	simm.s32 $0x20000;
	s1 =	sor.u32 s0, s1  }
0x5: {  	s14 =	simm.s32 $0x0;
	s11 =	simm.s32 $0x0;
	s3 =	sshll.u32 s1, $0x7  }
0x6: {  	s12 =	simm.s32 $0x0;
	s4 =	sadd.s32 $0x280000, s2;
	s6 =	ssub.s32 $0x10000, s3  }
.Ltmp0:
0x7: {  	s1 =	rddreg [dreg:$0x1];
	s5 =	sand.u32 $0xF80, s6;
	(pc) =	sbr.rel .LBB1_1-.Ltmp0, $4  }
0x8: {  	_ =	strace $0x80000047;
	s10 =	smov.u32 s3;
	p0 =	sne.s32 s5, $0x0  }
0x9: {  	s6 =	sshrl.u32 s6, $0xC;
	s5 =	simm.s32 $0x1;
	s7 =	simm.s32 @!p0 $0x0  }
0xa: {  	[sflag:s5] =	ssyncpa.u1 $0x0;
	p0 =	por $0x0, $0x0;
	s6 =	sadd.s32 s7, s6  }
0xb: {  	[sflag:s8] =	ssyncpa.u1 $0x0;
	s7 =	sadd.s32 $0x380000, s2;
	s8 =	sadd.s32 $0x1, s6  }
.LBB1_7:
0xc: {  	s15 =	sadd.s32 $0x1000, s10  }
0xd: {  	s13 =	sadd.s32 $0x2, s11;
	s17 =	smov.u32 s11;
	p2 =	sgt.s32 s15, $0xFFFF  }
0xe: {  	s17 =	smov.u32 @p2 s13  }
0xf: {  	s15 =	smov.u32 @p2 s3;
	p2 =	sgt.s32 s17, $0x1  }
0x10: {  	s17 =	simm.s32 @p2 $0x0;
	p2 =	sne.s32 s12, s8  }
.Ltmp1:
0x11: {  	p1 =	slt.u32 s12, $0x2;
	(pc) =	sbr.rel @!p2 .LBB1_8-.Ltmp1, $4  }
0x12: {  	s16 =	simm.s32 @!p1 $0x2  }
0x13: {  	s14 =	smov.u32 s11;
	p0 =	por !p0, !p0;
	_ =	swait.ge @!p1 [sflag:s16], $0x4000  }
0x14: {  	s13 =	smov.u32 s10;
	[sflag:s16] =	ssyncset.done @!p1 $0x0;
	s10 =	smov.u32 s15  }
0x15: {  	s12 =	sadd.s32 $0x1, s12;
	[sflag:s16] =	ssyncadd.s32 @!p1 $0xFFFFC000;
	s11 =	smov.u32 s17  }
.LBB1_1:
0x16: {  	p1 =	sge.u32 s12, s6  }
0x17: {  	s15 =	sxor.u32 @!p1 $0xFFFFFFFF, s12;
	s16 =	sshll.u32 @!p1 s11, $0x14  }
0x18: {  	s17 =	sshll.u32 @!p1 s10, $0x4;
	s19 =	simm.s32 @!p1 $0x40;
	s20 =	simm.s32 @!p1 $0x80  }
0x19: {  	s15 =	sshll.u32 @!p1 s15, $0xE;
	s17 =	sand.u32 @!p1 $0xFFFF0, s17;
	s18 =	sadd.s32 @!p1 s4, s16  }
0x1a: {  	s16 =	sadd.s32 @!p1 s16, s7;
	s15 =	sand.u32 @!p1 $0x4000, s15;
	s18 =	sadd.s32 @!p1 s17, s18  }
0x1b: {  	[tilespmem:s15], [sflag:$0x1] =	stream.strided.gather @!p1 [hbm4b:s18+s19], $0x2000, s20, s19, $0x38;
	[tilespmem:$0x10100] =	vst v63  }
0x1c: {  	s31 =	sadd.s32 $0xFFFFFFFF, s12;
	s16 =	sadd.s32 @!p1 s17, s16;
	s15 =	sor.u32 @!p1 $0x2000, s15  }
0x1d: {  	[tilespmem:s15], [sflag:$0x1] =	stream.strided.gather @!p1 [hbm4b:s16+s19], $0x2000, s20, s19, $0x38;
	[tilespmem:$0x10100] =	vst v63  }
0x1e: {  	p1 =	sge.u32 s31, s6  }
.Ltmp2:
0x1f: {  	_ = 	snop;
	(pc) =	sbr.rel @p1 .LBB1_7-.Ltmp2, $1  }
0x20: {  	_ =	sdelay $0x3  }
0x21: {  	s15 =	simm.s32 $0x1;
	s17 =	sand.u32 $0x1, s12  }
0x22: {  	_ =	swait.ge [sflag:s5], $0x4000;
	s15 =	simm.s32 @!p0 $0x0;
	s17 =	smul.u32 $0x10200, s17  }
0x23: {  	p2 =	por $0x1, $0x1;
	[sflag:s5] =	ssyncset.done $0x0;
	s16 =	smul.u32 $0x10200, s15  }
0x24: {  	s18 =	sshll.u32 s15, $0x10;
	[sflag:s5] =	ssyncadd.s32 $0xFFFFC000;
	s30 =	sshrl.u32 s17, $0x2  }
0x25: {  	s31 =	sshrl.u32 s18, $0x2;
	s18 =	simm.s32 $0x0;
	s16 =	sshrl.u32 s16, $0x2  }
0x26: {  	s15 =	sor.u32 $0x8000, s30;
	s17 =	sadd.s32 $0x20, s31;
	s16 =	sor.u32 $0x8000, s16  }
.LBB1_3:
0x27: {  	s19 =	sshll.u32 s18, $0xD  }
0x28: {  	s19 =	sand.u32 $0x3FFFE000, s19  }
0x29: {  	s21 =	sadd.s32 s19, s17  }
0x2a: {  	s31 =	sand.u32 $0x1, s18;
	v3 =	vld [tilespmem:s21+$0x10]  }
0x2b: {  	s18 =	simm.s32 $0x81;
	p1 =	seq.s32 s31, $0x1;
	v1 =	vld [tilespmem:s21+$0xFFFFFFF0]  }
0x2c: {  	s18 =	simm.s32 @!p1 $0x0;
	v0 =	vld [tilespmem:s21+$0x0]  }
0x2d: {  	s18 =	sadd.s32 s18, s16;
	v2 =	vld [tilespmem:s21+$0xFFFFFFE0]  }
0x2e: {  	s19 =	sadd.s32 $0x0, s18  }
0x2f: {  	s20 =	simm.s32 $0x4;
	p1 =	por p2, p2;
	s21 =	sadd.s32 $0x40, s21;
	[tilespmem:s19+$0x3060 ss:$0x102] =	vst.msk $0xffff, v3  }
.LBB1_4:
0x30: {  	v3 =	vld [tilespmem:s21+$0x10];
	p2 =	sne.s32 s20, $0x1FC;
	[tilespmem:s19+$0x1020 ss:$0x102] =	vst.msk $0xffff, v1;
	s22 =	smov.u32 s20;
	s20 =	sadd.s32 $0x4, s20  }
.Ltmp3:
0x31: {  	v1 =	vld [tilespmem:s21+$0xFFFFFFF0];
	[tilespmem:s19+$0x2040 ss:$0x102] =	vst.msk $0xffff, v0;
	(pc) =	sbr.rel @p2 .LBB1_4-.Ltmp3, $4  }
0x32: {  	v0 =	vld [tilespmem:s21+$0x0];
	[tilespmem:s19+$0x0 ss:$0x102] =	vst.msk $0xffff, v2  }
0x33: {  	s19 =	sshra.s32 s22, $0x2;
	v2 =	vld [tilespmem:s21+$0xFFFFFFE0]  }
0x34: {  	s19 =	sadd.s32 s19, s18  }
0x35: {  	s21 =	sadd.s32 $0x40, s21;
	[tilespmem:s19+$0x3060 ss:$0x102] =	vst.msk $0xffff, v3  }
.Ltmp4:
0x36: {  	(pc) =	sbr.rel @p1 .LBB1_3-.Ltmp4, $4  }
0x37: {  	_ = 	snop  }
0x38: {  	[tilespmem:s19+$0x1020 ss:$0x102] =	vst.msk $0xffff, v1  }
0x39: {  	[tilespmem:s19+$0x2040 ss:$0x102] =	vst.msk $0xffff, v0  }
0x3a: {  	s18 =	simm.s32 $0x1;
	p2 =	por $0x0, $0x0;
	[tilespmem:s19+$0x0 ss:$0x102] =	vst.msk $0xffff, v2  }
0x3b: {  	s14 =	sshll.u32 s14, $0x7  }
0x3c: {  	s16 =	sand.u32 $0x78, s13;
	s17 =	sshll.u32 s13, $0x1;
	s14 =	sand.u32 $0x80, s14  }
.Ltmp5:
0x3d: {  	s17 =	sand.u32 $0x1FF00, s17;
	s14 =	sor.u32 s14, s16;
	(pc) =	sbr.rel .LBB1_7-.Ltmp5, $4  }
0x3e: {  	s31 =	sand.u32 $0x7, s13;
	s14 =	sor.u32 s17, s14  }
0x3f: {  	s13 =	sshll.u32 s31, $0x12;
	s14 =	sshrl.u32 s14, $0x3  }
0x40: {  	s13 =	sor.u32 $0x100, s13;
	s14 =	sadd.s32 s2, s14  }
0x41: {  	[hbm4b:s14+s13] =	stream.strided.scatter [tilespmem:s15], [sflag:$0x2], $0x4000, s9, s13, $0x20;
	[tilespmem:$0x10100] =	vst v63  }
.LBB1_8:
0x42: {  	_ =	sfence.sel $0x180000  }
0x43: {  	s2 =	simm.s32 $0x1;
	[bflag:$0x0] =	sbarrier.arrive $0xFFFF  }
0x44: {  	s31 =	simm.s32 $0x2;
	[sflag:s2] =	ssyncpa.u1 $0x1  }
0x45: {  	[sflag:s31] =	ssyncpa.u1 $0x1  }
0x46: {  	p0 =	sne.s32 s0, $0x0;
	_ =	strace $0x90000047  }
0x47: {  	s0 =	sadd.s32 @!p0 $0x100000, s1;
	[bflag:$0x2] =	sbarrier.arrive $0xFFFF  }
0x48: {  	[sflag:s0] =	ssyncadd.tile.s32 @!p0 $0x1;
	_ =	shalt  }
.Lfunc_end1:
_tile_overlayer_lowered:
.L_overlay_start_2:
0x49: {  	(tag) =	ssettag $0x2  }
0x4a: {  	s0 =	rddreg [dreg:$0x0];
	s2 =	stileid.u32  }
0x4b: {  	s1 =	rddreg [dreg:$0x1];
	p0 =	sne.s32 s2, $0x0  }
0x4c: {  	s3 =	rddreg [dreg:$0x2];
	[bflag:$0x3] =	sbarrier.arrive $0xFFFF;
	s2 =	simm.s32 @!p0 $0x1C01  }
0x4d: {  	[timem:s3], [sflag:s2] =	dma.local @!p0 [hbm:s0], s1  }
0x4e: {  	s0 =	simm.s32 @!p0 $0x1  }
0x4f: {  	_ =	swait.ge @!p0 [sflag:s0], s1  }
0x50: {  	s1 =	ssub.s32 @!p0 $0x0, s1;
	[sflag:s0] =	ssyncset.done @!p0 $0x0  }
0x51: {  	[sflag:s0] =	ssyncadd.s32 @!p0 s1  }
0x52: {  	[bflag:$0x3] =	sbarrier.arrive $0xFFFF  }
0x53: {  	_ =	shalt  }

</sc_bundles>
